<compile_context>
chip_gen: v7x
topology: tpu7x:2x2x1
jax: 0.10.2.dev20260603
libtpu: 0.0.44.dev20260713+nightly
codegen_flags: <defaults>
</compile_context>

<pallas_src>
import jax
import jax.numpy as jnp
from jax.experimental import pallas as pl

NUM_NODES = 12
NUM_EDGES = 36
NODE_DIM = 128
TB = 256


def _fused_body(ew_ref, w_ref, b_ref, x_ref, out_ref, wts_ref):
    wts = jax.nn.softplus(ew_ref[:, :])
    wts_ref[:, :] = wts
    wmat = w_ref[:, :]
    bias = b_ref[:, :]
    uacc = [None] * 6
    vacc = [None] * 6
    for i in range(6):
        for j in range(6):
            e = 6 * i + j
            wf = x_ref[:, e * 128:(e + 1) * 128] * wts[0:1, e:e + 1]
            uacc[i] = wf if uacc[i] is None else uacc[i] + wf
            vacc[j] = wf if vacc[j] is None else vacc[j] + wf
    for n in range(NUM_NODES):
        acc = uacc[n] if n < 6 else vacc[n - 6]
        y = jax.lax.dot_general(acc, wmat, (((1,), (1,)), ((), ())),
                                preferred_element_type=jnp.float32)
        out_ref[:, n * 128:(n + 1) * 128] = jnp.maximum(y + bias, 0.0)


def kernel(edge_feats, edge_weights, W, b):
    B, E, D = edge_feats.shape
    xf = edge_feats.reshape(B, E * D)
    ew2 = edge_weights.reshape(1, E)
    b2 = b.reshape(1, D)
    grid = (B // TB,)
    nodes, wts = pl.pallas_call(
        _fused_body,
        grid=grid,
        in_specs=[
            pl.BlockSpec((1, E), lambda i: (0, 0)),
            pl.BlockSpec((D, D), lambda i: (0, 0)),
            pl.BlockSpec((1, D), lambda i: (0, 0)),
            pl.BlockSpec((TB, E * D), lambda i: (i, 0)),
        ],
        out_specs=[
            pl.BlockSpec((TB, NUM_NODES * D), lambda i: (i, 0)),
            pl.BlockSpec((1, E), lambda i: (0, 0)),
        ],
        out_shape=[
            jax.ShapeDtypeStruct((B, NUM_NODES * D), edge_feats.dtype),
            jax.ShapeDtypeStruct((1, E), edge_weights.dtype),
        ],
    )(ew2, W, b2, xf)
    return (nodes.reshape(B, NUM_NODES, D), wts.reshape(E))

# --- scband reference (transcript-rebuilt; emitter-appended) ---
"""Pipeline reference for scband-spatial-graph-subsystem-3865470566685 (READ-ONLY COPY).

The authoritative reference and input builder live on the scoring server;
editing this copy changes nothing except your own understanding.
"""

import jax, jax.numpy as jnp
import numpy as np

NUM_NODES = 12
EDGE_DIM = 128
NODE_DIM = 128

def _build_edges():
    edges = []
    for i in range(12):
        for j in range(i + 1, 12):
            if i < 6 and j >= 6:
                edges.append((i, j))
    return edges

EDGES = _build_edges()
NUM_EDGES = len(EDGES)  # 36
U_IDX = jnp.asarray([e[0] for e in EDGES], dtype=jnp.int32)
V_IDX = jnp.asarray([e[1] for e in EDGES], dtype=jnp.int32)


def setup_inputs(seed: int = 0) -> dict:
    key = jax.random.key(seed)
    k1, k2, k3, k4 = jax.random.split(key, 4)
    B = 16384
    edge_feats = jax.random.normal(k1, (B, NUM_EDGES, EDGE_DIM), dtype=jnp.float32)
    # learnable edge weights initialized like 1/(dist+eps); emulate with positive randoms
    coords = jax.random.normal(k2, (12, 3), dtype=jnp.float32)
    diffs = coords[U_IDX] - coords[V_IDX]
    dists = jnp.sqrt(jnp.sum(diffs * diffs, axis=-1))
    edge_weights = 1.0 / (dists + 1e-08)
    W = jax.random.normal(k3, (NODE_DIM, EDGE_DIM), dtype=jnp.float32) * (1.0 / np.sqrt(EDGE_DIM))
    b = jax.random.normal(k4, (NODE_DIM,), dtype=jnp.float32) * 0.01
    return {"edge_feats": edge_feats, "edge_weights": edge_weights, "W": W, "b": b}


def reference(edge_feats, edge_weights, W, b):
    B, E, D = edge_feats.shape
    weights = jax.nn.softplus(edge_weights)          # [E]
    wf = edge_feats * weights.reshape(1, E, 1)        # [B, E, D]
    node_feats = jnp.zeros((B, NUM_NODES, D), dtype=edge_feats.dtype)
    node_feats = node_feats.at[:, U_IDX, :].add(wf)   # scatter-add to source nodes
    node_feats = node_feats.at[:, V_IDX, :].add(wf)   # scatter-add to dest nodes
    node_feats = jax.nn.relu(jnp.einsum('bnd,od->bno', node_feats, W) + b)
    return (node_feats, weights)

if __name__ == "__main__":
    import jax
    _d = setup_inputs()
    print(jax.jit(kernel)(*tuple(_d.values())))

</pallas_src>

<mosaic_0001>
module attributes {stable_mosaic.version = 14 : i64} {
  func.func @_fused_body(%arg0: i32, %arg1: memref<1x36xf32, #tpu.memory_space<vmem>>, %arg2: memref<128x128xf32, #tpu.memory_space<vmem>>, %arg3: memref<1x128xf32, #tpu.memory_space<vmem>>, %arg4: memref<256x4608xf32, #tpu.memory_space<vmem>>, %arg5: memref<256x1536xf32, #tpu.memory_space<vmem>>, %arg6: memref<1x36xf32, #tpu.memory_space<vmem>>) attributes {dimension_semantics = [#tpu.dimension_semantics<arbitrary>], iteration_bounds = array<i64: 64>, scalar_prefetch = 0 : i64, scratch_operands = 0 : i64, tpu.core_type = #tpu.core_type<tc>, window_params = [{pipeline_mode = #tpu.pipeline_mode<synchronous>, transform_indices = @transform_0, window_bounds = array<i64: 1, 36>}, {pipeline_mode = #tpu.pipeline_mode<synchronous>, transform_indices = @transform_1, window_bounds = array<i64: 128, 128>}, {pipeline_mode = #tpu.pipeline_mode<synchronous>, transform_indices = @transform_2, window_bounds = array<i64: 1, 128>}, {transform_indices = @transform_3, window_bounds = array<i64: 256, 4608>}, {transform_indices = @transform_4, window_bounds = array<i64: 256, 1536>}, {pipeline_mode = #tpu.pipeline_mode<synchronous>, transform_indices = @transform_5, window_bounds = array<i64: 1, 36>}]} {
    %get3A = arith.constant 0 : index
    %get3A_0 = arith.constant 0 : index
    %get3A_1 = vector.load %arg1[%get3A, %get3A_0] : memref<1x36xf32, #tpu.memory_space<vmem>>, vector<1x36xf32>
    %custom_jvp_call3A = arith.constant 0.000000e+00 : f32
    %max3A = vector.broadcast %custom_jvp_call3A : f32 to vector<1x36xf32>
    %max3A_2 = arith.maximumf %get3A_1, %max3A : vector<1x36xf32>
    %sub3A = vector.broadcast %custom_jvp_call3A : f32 to vector<1x36xf32>
    %sub3A_3 = arith.subf %get3A_1, %sub3A : vector<1x36xf32>
    %ne3A = arith.cmpf one, %sub3A_3, %sub3A_3 : vector<1x36xf32>
    %add3A = vector.broadcast %custom_jvp_call3A : f32 to vector<1x36xf32>
    %add3A_4 = arith.addf %get3A_1, %add3A : vector<1x36xf32>
    %abs3A = math.absf %sub3A_3 : vector<1x36xf32>
    %neg3A = arith.constant 0.000000e+00 : f32
    %neg3A_5 = vector.broadcast %neg3A : f32 to vector<1x36xf32>
    %neg3A_6 = arith.subf %neg3A_5, %abs3A : vector<1x36xf32>
    %exp3A = math.exp %neg3A_6 : vector<1x36xf32>
    %log1p3A = math.log1p %exp3A : vector<1x36xf32>
    %add3A_7 = arith.addf %max3A_2, %log1p3A : vector<1x36xf32>
    %select_n3A = arith.select %ne3A, %add3A_4, %add3A_7 : vector<1x36xi1>, vector<1x36xf32>
    %swap3A = arith.constant 0 : index
    %swap3A_8 = arith.constant 0 : index
    %swap3A_9 = vector.load %arg6[%swap3A, %swap3A_8] : memref<1x36xf32, #tpu.memory_space<vmem>>, vector<1x36xf32>
    tpu.vector_store %arg6[%swap3A, %swap3A_8], %select_n3A {strides = array<i32>} : memref<1x36xf32, #tpu.memory_space<vmem>>, vector<1x36xf32>,
    %get3A_10 = arith.constant 0 : index
    %get3A_11 = arith.constant 0 : index
    %get3A_12 = vector.load %arg2[%get3A_10, %get3A_11] : memref<128x128xf32, #tpu.memory_space<vmem>>, vector<128x128xf32>
    %get3A_13 = arith.constant 0 : index
    %get3A_14 = arith.constant 0 : index
    %get3A_15 = vector.load %arg3[%get3A_13, %get3A_14] : memref<1x128xf32, #tpu.memory_space<vmem>>, vector<1x128xf32>
    %get3A_16 = arith.constant 0 : index
    %get3A_17 = arith.constant 0 : index
    %get3A_18 = vector.load %arg4[%get3A_16, %get3A_17] : memref<256x4608xf32, #tpu.memory_space<vmem>>, vector<256x128xf32>
    %slice3A = vector.extract_strided_slice %select_n3A {offsets = [0, 0], sizes = [1, 1], strides = [1, 1]} : vector<1x36xf32> to vector<1x1xf32>
    %mul3A = vector.broadcast %slice3A : vector<1x1xf32> to vector<256x128xf32>
    %mul3A_19 = arith.mulf %get3A_18, %mul3A : vector<256x128xf32>
    %get3A_20 = arith.constant 0 : index
    %get3A_21 = arith.constant 128 : index
    %get3A_22 = vector.load %arg4[%get3A_20, %get3A_21] : memref<256x4608xf32, #tpu.memory_space<vmem>>, vector<256x128xf32>
    %slice3A_23 = vector.extract_strided_slice %select_n3A {offsets = [0, 1], sizes = [1, 1], strides = [1, 1]} : vector<1x36xf32> to vector<1x1xf32>
    %mul3A_24 = vector.broadcast %slice3A_23 : vector<1x1xf32> to vector<256x128xf32>
    %mul3A_25 = arith.mulf %get3A_22, %mul3A_24 : vector<256x128xf32>
    %add3A_26 = arith.addf %mul3A_19, %mul3A_25 : vector<256x128xf32>
    %get3A_27 = arith.constant 0 : index
    %get3A_28 = arith.constant 256 : index
    %get3A_29 = vector.load %arg4[%get3A_27, %get3A_28] : memref<256x4608xf32, #tpu.memory_space<vmem>>, vector<256x128xf32>
    %slice3A_30 = vector.extract_strided_slice %select_n3A {offsets = [0, 2], sizes = [1, 1], strides = [1, 1]} : vector<1x36xf32> to vector<1x1xf32>
    %mul3A_31 = vector.broadcast %slice3A_30 : vector<1x1xf32> to vector<256x128xf32>
    %mul3A_32 = arith.mulf %get3A_29, %mul3A_31 : vector<256x128xf32>
    %add3A_33 = arith.addf %add3A_26, %mul3A_32 : vector<256x128xf32>
    %get3A_34 = arith.constant 0 : index
    %get3A_35 = arith.constant 384 : index
    %get3A_36 = vector.load %arg4[%get3A_34, %get3A_35] : memref<256x4608xf32, #tpu.memory_space<vmem>>, vector<256x128xf32>
    %slice3A_37 = vector.extract_strided_slice %select_n3A {offsets = [0, 3], sizes = [1, 1], strides = [1, 1]} : vector<1x36xf32> to vector<1x1xf32>
    %mul3A_38 = vector.broadcast %slice3A_37 : vector<1x1xf32> to vector<256x128xf32>
    %mul3A_39 = arith.mulf %get3A_36, %mul3A_38 : vector<256x128xf32>
    %add3A_40 = arith.addf %add3A_33, %mul3A_39 : vector<256x128xf32>
    %get3A_41 = arith.constant 0 : index
    %get3A_42 = arith.constant 512 : index
    %get3A_43 = vector.load %arg4[%get3A_41, %get3A_42] : memref<256x4608xf32, #tpu.memory_space<vmem>>, vector<256x128xf32>
    %slice3A_44 = vector.extract_strided_slice %select_n3A {offsets = [0, 4], sizes = [1, 1], strides = [1, 1]} : vector<1x36xf32> to vector<1x1xf32>
    %mul3A_45 = vector.broadcast %slice3A_44 : vector<1x1xf32> to vector<256x128xf32>
    %mul3A_46 = arith.mulf %get3A_43, %mul3A_45 : vector<256x128xf32>
    %add3A_47 = arith.addf %add3A_40, %mul3A_46 : vector<256x128xf32>
    %get3A_48 = arith.constant 0 : index
    %get3A_49 = arith.constant 640 : index
    %get3A_50 = vector.load %arg4[%get3A_48, %get3A_49] : memref<256x4608xf32, #tpu.memory_space<vmem>>, vector<256x128xf32>
    %slice3A_51 = vector.extract_strided_slice %select_n3A {offsets = [0, 5], sizes = [1, 1], strides = [1, 1]} : vector<1x36xf32> to vector<1x1xf32>
    %mul3A_52 = vector.broadcast %slice3A_51 : vector<1x1xf32> to vector<256x128xf32>
    %mul3A_53 = arith.mulf %get3A_50, %mul3A_52 : vector<256x128xf32>
    %add3A_54 = arith.addf %add3A_47, %mul3A_53 : vector<256x128xf32>
    %get3A_55 = arith.constant 0 : index
    %get3A_56 = arith.constant 768 : index
    %get3A_57 = vector.load %arg4[%get3A_55, %get3A_56] : memref<256x4608xf32, #tpu.memory_space<vmem>>, vector<256x128xf32>
    %slice3A_58 = vector.extract_strided_slice %select_n3A {offsets = [0, 6], sizes = [1, 1], strides = [1, 1]} : vector<1x36xf32> to vector<1x1xf32>
    %mul3A_59 = vector.broadcast %slice3A_58 : vector<1x1xf32> to vector<256x128xf32>
    %mul3A_60 = arith.mulf %get3A_57, %mul3A_59 : vector<256x128xf32>
    %add3A_61 = arith.addf %mul3A_19, %mul3A_60 : vector<256x128xf32>
    %get3A_62 = arith.constant 0 : index
    %get3A_63 = arith.constant 896 : index
    %get3A_64 = vector.load %arg4[%get3A_62, %get3A_63] : memref<256x4608xf32, #tpu.memory_space<vmem>>, vector<256x128xf32>
    %slice3A_65 = vector.extract_strided_slice %select_n3A {offsets = [0, 7], sizes = [1, 1], strides = [1, 1]} : vector<1x36xf32> to vector<1x1xf32>
    %mul3A_66 = vector.broadcast %slice3A_65 : vector<1x1xf32> to vector<256x128xf32>
    %mul3A_67 = arith.mulf %get3A_64, %mul3A_66 : vector<256x128xf32>
    %add3A_68 = arith.addf %mul3A_60, %mul3A_67 : vector<256x128xf32>
    %add3A_69 = arith.addf %mul3A_25, %mul3A_67 : vector<256x128xf32>
    %get3A_70 = arith.constant 0 : index
    %get3A_71 = arith.constant 1024 : index
    %get3A_72 = vector.load %arg4[%get3A_70, %get3A_71] : memref<256x4608xf32, #tpu.memory_space<vmem>>, vector<256x128xf32>
    %slice3A_73 = vector.extract_strided_slice %select_n3A {offsets = [0, 8], sizes = [1, 1], strides = [1, 1]} : vector<1x36xf32> to vector<1x1xf32>
    %mul3A_74 = vector.broadcast %slice3A_73 : vector<1x1xf32> to vector<256x128xf32>
    %mul3A_75 = arith.mulf %get3A_72, %mul3A_74 : vector<256x128xf32>
    %add3A_76 = arith.addf %add3A_68, %mul3A_75 : vector<256x128xf32>
    %add3A_77 = arith.addf %mul3A_32, %mul3A_75 : vector<256x128xf32>
    %get3A_78 = arith.constant 0 : index
    %get3A_79 = arith.constant 1152 : index
    %get3A_80 = vector.load %arg4[%get3A_78, %get3A_79] : memref<256x4608xf32, #tpu.memory_space<vmem>>, vector<256x128xf32>
    %slice3A_81 = vector.extract_strided_slice %select_n3A {offsets = [0, 9], sizes = [1, 1], strides = [1, 1]} : vector<1x36xf32> to vector<1x1xf32>
    %mul3A_82 = vector.broadcast %slice3A_81 : vector<1x1xf32> to vector<256x128xf32>
    %mul3A_83 = arith.mulf %get3A_80, %mul3A_82 : vector<256x128xf32>
    %add3A_84 = arith.addf %add3A_76, %mul3A_83 : vector<256x128xf32>
    %add3A_85 = arith.addf %mul3A_39, %mul3A_83 : vector<256x128xf32>
    %get3A_86 = arith.constant 0 : index
    %get3A_87 = arith.constant 1280 : index
    %get3A_88 = vector.load %arg4[%get3A_86, %get3A_87] : memref<256x4608xf32, #tpu.memory_space<vmem>>, vector<256x128xf32>
    %slice3A_89 = vector.extract_strided_slice %select_n3A {offsets = [0, 10], sizes = [1, 1], strides = [1, 1]} : vector<1x36xf32> to vector<1x1xf32>
    %mul3A_90 = vector.broadcast %slice3A_89 : vector<1x1xf32> to vector<256x128xf32>
    %mul3A_91 = arith.mulf %get3A_88, %mul3A_90 : vector<256x128xf32>
    %add3A_92 = arith.addf %add3A_84, %mul3A_91 : vector<256x128xf32>
    %add3A_93 = arith.addf %mul3A_46, %mul3A_91 : vector<256x128xf32>
    %get3A_94 = arith.constant 0 : index
    %get3A_95 = arith.constant 1408 : index
    %get3A_96 = vector.load %arg4[%get3A_94, %get3A_95] : memref<256x4608xf32, #tpu.memory_space<vmem>>, vector<256x128xf32>
    %slice3A_97 = vector.extract_strided_slice %select_n3A {offsets = [0, 11], sizes = [1, 1], strides = [1, 1]} : vector<1x36xf32> to vector<1x1xf32>
    %mul3A_98 = vector.broadcast %slice3A_97 : vector<1x1xf32> to vector<256x128xf32>
    %mul3A_99 = arith.mulf %get3A_96, %mul3A_98 : vector<256x128xf32>
    %add3A_100 = arith.addf %add3A_92, %mul3A_99 : vector<256x128xf32>
    %add3A_101 = arith.addf %mul3A_53, %mul3A_99 : vector<256x128xf32>
    %get3A_102 = arith.constant 0 : index
    %get3A_103 = arith.constant 1536 : index
    %get3A_104 = vector.load %arg4[%get3A_102, %get3A_103] : memref<256x4608xf32, #tpu.memory_space<vmem>>, vector<256x128xf32>
    %slice3A_105 = vector.extract_strided_slice %select_n3A {offsets = [0, 12], sizes = [1, 1], strides = [1, 1]} : vector<1x36xf32> to vector<1x1xf32>
    %mul3A_106 = vector.broadcast %slice3A_105 : vector<1x1xf32> to vector<256x128xf32>
    %mul3A_107 = arith.mulf %get3A_104, %mul3A_106 : vector<256x128xf32>
    %add3A_108 = arith.addf %add3A_61, %mul3A_107 : vector<256x128xf32>
    %get3A_109 = arith.constant 0 : index
    %get3A_110 = arith.constant 1664 : index
    %get3A_111 = vector.load %arg4[%get3A_109, %get3A_110] : memref<256x4608xf32, #tpu.memory_space<vmem>>, vector<256x128xf32>
    %slice3A_112 = vector.extract_strided_slice %select_n3A {offsets = [0, 13], sizes = [1, 1], strides = [1, 1]} : vector<1x36xf32> to vector<1x1xf32>
    %mul3A_113 = vector.broadcast %slice3A_112 : vector<1x1xf32> to vector<256x128xf32>
    %mul3A_114 = arith.mulf %get3A_111, %mul3A_113 : vector<256x128xf32>
    %add3A_115 = arith.addf %mul3A_107, %mul3A_114 : vector<256x128xf32>
    %add3A_116 = arith.addf %add3A_69, %mul3A_114 : vector<256x128xf32>
    %get3A_117 = arith.constant 0 : index
    %get3A_118 = arith.constant 1792 : index
    %get3A_119 = vector.load %arg4[%get3A_117, %get3A_118] : memref<256x4608xf32, #tpu.memory_space<vmem>>, vector<256x128xf32>
    %slice3A_120 = vector.extract_strided_slice %select_n3A {offsets = [0, 14], sizes = [1, 1], strides = [1, 1]} : vector<1x36xf32> to vector<1x1xf32>
    %mul3A_121 = vector.broadcast %slice3A_120 : vector<1x1xf32> to vector<256x128xf32>
    %mul3A_122 = arith.mulf %get3A_119, %mul3A_121 : vector<256x128xf32>
    %add3A_123 = arith.addf %add3A_115, %mul3A_122 : vector<256x128xf32>
    %add3A_124 = arith.addf %add3A_77, %mul3A_122 : vector<256x128xf32>
    %get3A_125 = arith.constant 0 : index
    %get3A_126 = arith.constant 1920 : index
    %get3A_127 = vector.load %arg4[%get3A_125, %get3A_126] : memref<256x4608xf32, #tpu.memory_space<vmem>>, vector<256x128xf32>
    %slice3A_128 = vector.extract_strided_slice %select_n3A {offsets = [0, 15], sizes = [1, 1], strides = [1, 1]} : vector<1x36xf32> to vector<1x1xf32>
    %mul3A_129 = vector.broadcast %slice3A_128 : vector<1x1xf32> to vector<256x128xf32>
    %mul3A_130 = arith.mulf %get3A_127, %mul3A_129 : vector<256x128xf32>
    %add3A_131 = arith.addf %add3A_123, %mul3A_130 : vector<256x128xf32>
    %add3A_132 = arith.addf %add3A_85, %mul3A_130 : vector<256x128xf32>
    %get3A_133 = arith.constant 0 : index
    %get3A_134 = arith.constant 2048 : index
    %get3A_135 = vector.load %arg4[%get3A_133, %get3A_134] : memref<256x4608xf32, #tpu.memory_space<vmem>>, vector<256x128xf32>
    %slice3A_136 = vector.extract_strided_slice %select_n3A {offsets = [0, 16], sizes = [1, 1], strides = [1, 1]} : vector<1x36xf32> to vector<1x1xf32>
    %mul3A_137 = vector.broadcast %slice3A_136 : vector<1x1xf32> to vector<256x128xf32>
    %mul3A_138 = arith.mulf %get3A_135, %mul3A_137 : vector<256x128xf32>
    %add3A_139 = arith.addf %add3A_131, %mul3A_138 : vector<256x128xf32>
    %add3A_140 = arith.addf %add3A_93, %mul3A_138 : vector<256x128xf32>
    %get3A_141 = arith.constant 0 : index
    %get3A_142 = arith.constant 2176 : index
    %get3A_143 = vector.load %arg4[%get3A_141, %get3A_142] : memref<256x4608xf32, #tpu.memory_space<vmem>>, vector<256x128xf32>
    %slice3A_144 = vector.extract_strided_slice %select_n3A {offsets = [0, 17], sizes = [1, 1], strides = [1, 1]} : vector<1x36xf32> to vector<1x1xf32>
    %mul3A_145 = vector.broadcast %slice3A_144 : vector<1x1xf32> to vector<256x128xf32>
    %mul3A_146 = arith.mulf %get3A_143, %mul3A_145 : vector<256x128xf32>
    %add3A_147 = arith.addf %add3A_139, %mul3A_146 : vector<256x128xf32>
    %add3A_148 = arith.addf %add3A_101, %mul3A_146 : vector<256x128xf32>
    %get3A_149 = arith.constant 0 : index
    %get3A_150 = arith.constant 2304 : index
    %get3A_151 = vector.load %arg4[%get3A_149, %get3A_150] : memref<256x4608xf32, #tpu.memory_space<vmem>>, vector<256x128xf32>
    %slice3A_152 = vector.extract_strided_slice %select_n3A {offsets = [0, 18], sizes = [1, 1], strides = [1, 1]} : vector<1x36xf32> to vector<1x1xf32>
    %mul3A_153 = vector.broadcast %slice3A_152 : vector<1x1xf32> to vector<256x128xf32>
    %mul3A_154 = arith.mulf %get3A_151, %mul3A_153 : vector<256x128xf32>
    %add3A_155 = arith.addf %add3A_108, %mul3A_154 : vector<256x128xf32>
    %get3A_156 = arith.constant 0 : index
    %get3A_157 = arith.constant 2432 : index
    %get3A_158 = vector.load %arg4[%get3A_156, %get3A_157] : memref<256x4608xf32, #tpu.memory_space<vmem>>, vector<256x128xf32>
    %slice3A_159 = vector.extract_strided_slice %select_n3A {offsets = [0, 19], sizes = [1, 1], strides = [1, 1]} : vector<1x36xf32> to vector<1x1xf32>
    %mul3A_160 = vector.broadcast %slice3A_159 : vector<1x1xf32> to vector<256x128xf32>
    %mul3A_161 = arith.mulf %get3A_158, %mul3A_160 : vector<256x128xf32>
    %add3A_162 = arith.addf %mul3A_154, %mul3A_161 : vector<256x128xf32>
    %add3A_163 = arith.addf %add3A_116, %mul3A_161 : vector<256x128xf32>
    %get3A_164 = arith.constant 0 : index
    %get3A_165 = arith.constant 2560 : index
    %get3A_166 = vector.load %arg4[%get3A_164, %get3A_165] : memref<256x4608xf32, #tpu.memory_space<vmem>>, vector<256x128xf32>
    %slice3A_167 = vector.extract_strided_slice %select_n3A {offsets = [0, 20], sizes = [1, 1], strides = [1, 1]} : vector<1x36xf32> to vector<1x1xf32>
    %mul3A_168 = vector.broadcast %slice3A_167 : vector<1x1xf32> to vector<256x128xf32>
    %mul3A_169 = arith.mulf %get3A_166, %mul3A_168 : vector<256x128xf32>
    %add3A_170 = arith.addf %add3A_162, %mul3A_169 : vector<256x128xf32>
    %add3A_171 = arith.addf %add3A_124, %mul3A_169 : vector<256x128xf32>
    %get3A_172 = arith.constant 0 : index
    %get3A_173 = arith.constant 2688 : index
    %get3A_174 = vector.load %arg4[%get3A_172, %get3A_173] : memref<256x4608xf32, #tpu.memory_space<vmem>>, vector<256x128xf32>
    %slice3A_175 = vector.extract_strided_slice %select_n3A {offsets = [0, 21], sizes = [1, 1], strides = [1, 1]} : vector<1x36xf32> to vector<1x1xf32>
    %mul3A_176 = vector.broadcast %slice3A_175 : vector<1x1xf32> to vector<256x128xf32>
    %mul3A_177 = arith.mulf %get3A_174, %mul3A_176 : vector<256x128xf32>
    %add3A_178 = arith.addf %add3A_170, %mul3A_177 : vector<256x128xf32>
    %add3A_179 = arith.addf %add3A_132, %mul3A_177 : vector<256x128xf32>
    %get3A_180 = arith.constant 0 : index
    %get3A_181 = arith.constant 2816 : index
    %get3A_182 = vector.load %arg4[%get3A_180, %get3A_181] : memref<256x4608xf32, #tpu.memory_space<vmem>>, vector<256x128xf32>
    %slice3A_183 = vector.extract_strided_slice %select_n3A {offsets = [0, 22], sizes = [1, 1], strides = [1, 1]} : vector<1x36xf32> to vector<1x1xf32>
    %mul3A_184 = vector.broadcast %slice3A_183 : vector<1x1xf32> to vector<256x128xf32>
    %mul3A_185 = arith.mulf %get3A_182, %mul3A_184 : vector<256x128xf32>
    %add3A_186 = arith.addf %add3A_178, %mul3A_185 : vector<256x128xf32>
    %add3A_187 = arith.addf %add3A_140, %mul3A_185 : vector<256x128xf32>
    %get3A_188 = arith.constant 0 : index
    %get3A_189 = arith.constant 2944 : index
    %get3A_190 = vector.load %arg4[%get3A_188, %get3A_189] : memref<256x4608xf32, #tpu.memory_space<vmem>>, vector<256x128xf32>
    %slice3A_191 = vector.extract_strided_slice %select_n3A {offsets = [0, 23], sizes = [1, 1], strides = [1, 1]} : vector<1x36xf32> to vector<1x1xf32>
    %mul3A_192 = vector.broadcast %slice3A_191 : vector<1x1xf32> to vector<256x128xf32>
    %mul3A_193 = arith.mulf %get3A_190, %mul3A_192 : vector<256x128xf32>
    %add3A_194 = arith.addf %add3A_186, %mul3A_193 : vector<256x128xf32>
    %add3A_195 = arith.addf %add3A_148, %mul3A_193 : vector<256x128xf32>
    %get3A_196 = arith.constant 0 : index
    %get3A_197 = arith.constant 3072 : index
    %get3A_198 = vector.load %arg4[%get3A_196, %get3A_197] : memref<256x4608xf32, #tpu.memory_space<vmem>>, vector<256x128xf32>
    %slice3A_199 = vector.extract_strided_slice %select_n3A {offsets = [0, 24], sizes = [1, 1], strides = [1, 1]} : vector<1x36xf32> to vector<1x1xf32>
    %mul3A_200 = vector.broadcast %slice3A_199 : vector<1x1xf32> to vector<256x128xf32>
    %mul3A_201 = arith.mulf %get3A_198, %mul3A_200 : vector<256x128xf32>
    %add3A_202 = arith.addf %add3A_155, %mul3A_201 : vector<256x128xf32>
    %get3A_203 = arith.constant 0 : index
    %get3A_204 = arith.constant 3200 : index
    %get3A_205 = vector.load %arg4[%get3A_203, %get3A_204] : memref<256x4608xf32, #tpu.memory_space<vmem>>, vector<256x128xf32>
    %slice3A_206 = vector.extract_strided_slice %select_n3A {offsets = [0, 25], sizes = [1, 1], strides = [1, 1]} : vector<1x36xf32> to vector<1x1xf32>
    %mul3A_207 = vector.broadcast %slice3A_206 : vector<1x1xf32> to vector<256x128xf32>
    %mul3A_208 = arith.mulf %get3A_205, %mul3A_207 : vector<256x128xf32>
    %add3A_209 = arith.addf %mul3A_201, %mul3A_208 : vector<256x128xf32>
    %add3A_210 = arith.addf %add3A_163, %mul3A_208 : vector<256x128xf32>
    %get3A_211 = arith.constant 0 : index
    %get3A_212 = arith.constant 3328 : index
    %get3A_213 = vector.load %arg4[%get3A_211, %get3A_212] : memref<256x4608xf32, #tpu.memory_space<vmem>>, vector<256x128xf32>
    %slice3A_214 = vector.extract_strided_slice %select_n3A {offsets = [0, 26], sizes = [1, 1], strides = [1, 1]} : vector<1x36xf32> to vector<1x1xf32>
    %mul3A_215 = vector.broadcast %slice3A_214 : vector<1x1xf32> to vector<256x128xf32>
    %mul3A_216 = arith.mulf %get3A_213, %mul3A_215 : vector<256x128xf32>
    %add3A_217 = arith.addf %add3A_209, %mul3A_216 : vector<256x128xf32>
    %add3A_218 = arith.addf %add3A_171, %mul3A_216 : vector<256x128xf32>
    %get3A_219 = arith.constant 0 : index
    %get3A_220 = arith.constant 3456 : index
    %get3A_221 = vector.load %arg4[%get3A_219, %get3A_220] : memref<256x4608xf32, #tpu.memory_space<vmem>>, vector<256x128xf32>
    %slice3A_222 = vector.extract_strided_slice %select_n3A {offsets = [0, 27], sizes = [1, 1], strides = [1, 1]} : vector<1x36xf32> to vector<1x1xf32>
    %mul3A_223 = vector.broadcast %slice3A_222 : vector<1x1xf32> to vector<256x128xf32>
    %mul3A_224 = arith.mulf %get3A_221, %mul3A_223 : vector<256x128xf32>
    %add3A_225 = arith.addf %add3A_217, %mul3A_224 : vector<256x128xf32>
    %add3A_226 = arith.addf %add3A_179, %mul3A_224 : vector<256x128xf32>
    %get3A_227 = arith.constant 0 : index
    %get3A_228 = arith.constant 3584 : index
    %get3A_229 = vector.load %arg4[%get3A_227, %get3A_228] : memref<256x4608xf32, #tpu.memory_space<vmem>>, vector<256x128xf32>
    %slice3A_230 = vector.extract_strided_slice %select_n3A {offsets = [0, 28], sizes = [1, 1], strides = [1, 1]} : vector<1x36xf32> to vector<1x1xf32>
    %mul3A_231 = vector.broadcast %slice3A_230 : vector<1x1xf32> to vector<256x128xf32>
    %mul3A_232 = arith.mulf %get3A_229, %mul3A_231 : vector<256x128xf32>
    %add3A_233 = arith.addf %add3A_225, %mul3A_232 : vector<256x128xf32>
    %add3A_234 = arith.addf %add3A_187, %mul3A_232 : vector<256x128xf32>
    %get3A_235 = arith.constant 0 : index
    %get3A_236 = arith.constant 3712 : index
    %get3A_237 = vector.load %arg4[%get3A_235, %get3A_236] : memref<256x4608xf32, #tpu.memory_space<vmem>>, vector<256x128xf32>
    %slice3A_238 = vector.extract_strided_slice %select_n3A {offsets = [0, 29], sizes = [1, 1], strides = [1, 1]} : vector<1x36xf32> to vector<1x1xf32>
    %mul3A_239 = vector.broadcast %slice3A_238 : vector<1x1xf32> to vector<256x128xf32>
    %mul3A_240 = arith.mulf %get3A_237, %mul3A_239 : vector<256x128xf32>
    %add3A_241 = arith.addf %add3A_233, %mul3A_240 : vector<256x128xf32>
    %add3A_242 = arith.addf %add3A_195, %mul3A_240 : vector<256x128xf32>
    %get3A_243 = arith.constant 0 : index
    %get3A_244 = arith.constant 3840 : index
    %get3A_245 = vector.load %arg4[%get3A_243, %get3A_244] : memref<256x4608xf32, #tpu.memory_space<vmem>>, vector<256x128xf32>
    %slice3A_246 = vector.extract_strided_slice %select_n3A {offsets = [0, 30], sizes = [1, 1], strides = [1, 1]} : vector<1x36xf32> to vector<1x1xf32>
    %mul3A_247 = vector.broadcast %slice3A_246 : vector<1x1xf32> to vector<256x128xf32>
    %mul3A_248 = arith.mulf %get3A_245, %mul3A_247 : vector<256x128xf32>
    %add3A_249 = arith.addf %add3A_202, %mul3A_248 : vector<256x128xf32>
    %get3A_250 = arith.constant 0 : index
    %get3A_251 = arith.constant 3968 : index
    %get3A_252 = vector.load %arg4[%get3A_250, %get3A_251] : memref<256x4608xf32, #tpu.memory_space<vmem>>, vector<256x128xf32>
    %slice3A_253 = vector.extract_strided_slice %select_n3A {offsets = [0, 31], sizes = [1, 1], strides = [1, 1]} : vector<1x36xf32> to vector<1x1xf32>
    %mul3A_254 = vector.broadcast %slice3A_253 : vector<1x1xf32> to vector<256x128xf32>
    %mul3A_255 = arith.mulf %get3A_252, %mul3A_254 : vector<256x128xf32>
    %add3A_256 = arith.addf %mul3A_248, %mul3A_255 : vector<256x128xf32>
    %add3A_257 = arith.addf %add3A_210, %mul3A_255 : vector<256x128xf32>
    %get3A_258 = arith.constant 0 : index
    %get3A_259 = arith.constant 4096 : index
    %get3A_260 = vector.load %arg4[%get3A_258, %get3A_259] : memref<256x4608xf32, #tpu.memory_space<vmem>>, vector<256x128xf32>
    %slice3A_261 = vector.extract_strided_slice %select_n3A {offsets = [0, 32], sizes = [1, 1], strides = [1, 1]} : vector<1x36xf32> to vector<1x1xf32>
    %mul3A_262 = vector.broadcast %slice3A_261 : vector<1x1xf32> to vector<256x128xf32>
    %mul3A_263 = arith.mulf %get3A_260, %mul3A_262 : vector<256x128xf32>
    %add3A_264 = arith.addf %add3A_256, %mul3A_263 : vector<256x128xf32>
    %add3A_265 = arith.addf %add3A_218, %mul3A_263 : vector<256x128xf32>
    %get3A_266 = arith.constant 0 : index
    %get3A_267 = arith.constant 4224 : index
    %get3A_268 = vector.load %arg4[%get3A_266, %get3A_267] : memref<256x4608xf32, #tpu.memory_space<vmem>>, vector<256x128xf32>
    %slice3A_269 = vector.extract_strided_slice %select_n3A {offsets = [0, 33], sizes = [1, 1], strides = [1, 1]} : vector<1x36xf32> to vector<1x1xf32>
    %mul3A_270 = vector.broadcast %slice3A_269 : vector<1x1xf32> to vector<256x128xf32>
    %mul3A_271 = arith.mulf %get3A_268, %mul3A_270 : vector<256x128xf32>
    %add3A_272 = arith.addf %add3A_264, %mul3A_271 : vector<256x128xf32>
    %add3A_273 = arith.addf %add3A_226, %mul3A_271 : vector<256x128xf32>
    %get3A_274 = arith.constant 0 : index
    %get3A_275 = arith.constant 4352 : index
    %get3A_276 = vector.load %arg4[%get3A_274, %get3A_275] : memref<256x4608xf32, #tpu.memory_space<vmem>>, vector<256x128xf32>
    %slice3A_277 = vector.extract_strided_slice %select_n3A {offsets = [0, 34], sizes = [1, 1], strides = [1, 1]} : vector<1x36xf32> to vector<1x1xf32>
    %mul3A_278 = vector.broadcast %slice3A_277 : vector<1x1xf32> to vector<256x128xf32>
    %mul3A_279 = arith.mulf %get3A_276, %mul3A_278 : vector<256x128xf32>
    %add3A_280 = arith.addf %add3A_272, %mul3A_279 : vector<256x128xf32>
    %add3A_281 = arith.addf %add3A_234, %mul3A_279 : vector<256x128xf32>
    %get3A_282 = arith.constant 0 : index
    %get3A_283 = arith.constant 4480 : index
    %get3A_284 = vector.load %arg4[%get3A_282, %get3A_283] : memref<256x4608xf32, #tpu.memory_space<vmem>>, vector<256x128xf32>
    %slice3A_285 = vector.extract_strided_slice %select_n3A {offsets = [0, 35], sizes = [1, 1], strides = [1, 1]} : vector<1x36xf32> to vector<1x1xf32>
    %mul3A_286 = vector.broadcast %slice3A_285 : vector<1x1xf32> to vector<256x128xf32>
    %mul3A_287 = arith.mulf %get3A_284, %mul3A_286 : vector<256x128xf32>
    %add3A_288 = arith.addf %add3A_280, %mul3A_287 : vector<256x128xf32>
    %add3A_289 = arith.addf %add3A_242, %mul3A_287 : vector<256x128xf32>
    %dot_general3A = arith.constant dense<0.000000e+00> : vector<256x128xf32>
    %dot_general3A_290 = tpu.matmul %add3A_54, %get3A_12, %dot_general3A {dimension_numbers = #tpu.dot_dimension_numbers<[1], [1], [0], [0], [0, 0, 1, 0], [], []>, transpose_lhs_hint = false} : vector<256x128xf32>, vector<128x128xf32>, vector<256x128xf32> -> vector<256x128xf32>
    %add3A_291 = vector.broadcast %get3A_15 : vector<1x128xf32> to vector<256x128xf32>
    %add3A_292 = arith.addf %dot_general3A_290, %add3A_291 : vector<256x128xf32>
    %max3A_293 = arith.constant 0.000000e+00 : f32
    %max3A_294 = vector.broadcast %max3A_293 : f32 to vector<256x128xf32>
    %max3A_295 = arith.maximumf %add3A_292, %max3A_294 : vector<256x128xf32>
    %swap3A_296 = arith.constant 0 : index
    %swap3A_297 = arith.constant 0 : index
    %swap3A_298 = vector.load %arg5[%swap3A_296, %swap3A_297] : memref<256x1536xf32, #tpu.memory_space<vmem>>, vector<256x128xf32>
    tpu.vector_store %arg5[%swap3A_296, %swap3A_297], %max3A_295 {strides = array<i32>} : memref<256x1536xf32, #tpu.memory_space<vmem>>, vector<256x128xf32>,
    %dot_general3A_299 = arith.constant dense<0.000000e+00> : vector<256x128xf32>
    %dot_general3A_300 = tpu.matmul %add3A_100, %get3A_12, %dot_general3A_299 {dimension_numbers = #tpu.dot_dimension_numbers<[1], [1], [0], [0], [0, 0, 1, 0], [], []>, transpose_lhs_hint = false} : vector<256x128xf32>, vector<128x128xf32>, vector<256x128xf32> -> vector<256x128xf32>
    %add3A_301 = vector.broadcast %get3A_15 : vector<1x128xf32> to vector<256x128xf32>
    %add3A_302 = arith.addf %dot_general3A_300, %add3A_301 : vector<256x128xf32>
    %max3A_303 = arith.constant 0.000000e+00 : f32
    %max3A_304 = vector.broadcast %max3A_303 : f32 to vector<256x128xf32>
    %max3A_305 = arith.maximumf %add3A_302, %max3A_304 : vector<256x128xf32>
    %swap3A_306 = arith.constant 0 : index
    %swap3A_307 = arith.constant 128 : index
    %swap3A_308 = vector.load %arg5[%swap3A_306, %swap3A_307] : memref<256x1536xf32, #tpu.memory_space<vmem>>, vector<256x128xf32>
    tpu.vector_store %arg5[%swap3A_306, %swap3A_307], %max3A_305 {strides = array<i32>} : memref<256x1536xf32, #tpu.memory_space<vmem>>, vector<256x128xf32>,
    %dot_general3A_309 = arith.constant dense<0.000000e+00> : vector<256x128xf32>
    %dot_general3A_310 = tpu.matmul %add3A_147, %get3A_12, %dot_general3A_309 {dimension_numbers = #tpu.dot_dimension_numbers<[1], [1], [0], [0], [0, 0, 1, 0], [], []>, transpose_lhs_hint = false} : vector<256x128xf32>, vector<128x128xf32>, vector<256x128xf32> -> vector<256x128xf32>
    %add3A_311 = vector.broadcast %get3A_15 : vector<1x128xf32> to vector<256x128xf32>
    %add3A_312 = arith.addf %dot_general3A_310, %add3A_311 : vector<256x128xf32>
    %max3A_313 = arith.constant 0.000000e+00 : f32
    %max3A_314 = vector.broadcast %max3A_313 : f32 to vector<256x128xf32>
    %max3A_315 = arith.maximumf %add3A_312, %max3A_314 : vector<256x128xf32>
    %swap3A_316 = arith.constant 0 : index
    %swap3A_317 = arith.constant 256 : index
    %swap3A_318 = vector.load %arg5[%swap3A_316, %swap3A_317] : memref<256x1536xf32, #tpu.memory_space<vmem>>, vector<256x128xf32>
    tpu.vector_store %arg5[%swap3A_316, %swap3A_317], %max3A_315 {strides = array<i32>} : memref<256x1536xf32, #tpu.memory_space<vmem>>, vector<256x128xf32>,
    %dot_general3A_319 = arith.constant dense<0.000000e+00> : vector<256x128xf32>
    %dot_general3A_320 = tpu.matmul %add3A_194, %get3A_12, %dot_general3A_319 {dimension_numbers = #tpu.dot_dimension_numbers<[1], [1], [0], [0], [0, 0, 1, 0], [], []>, transpose_lhs_hint = false} : vector<256x128xf32>, vector<128x128xf32>, vector<256x128xf32> -> vector<256x128xf32>
    %add3A_321 = vector.broadcast %get3A_15 : vector<1x128xf32> to vector<256x128xf32>
    %add3A_322 = arith.addf %dot_general3A_320, %add3A_321 : vector<256x128xf32>
    %max3A_323 = arith.constant 0.000000e+00 : f32
    %max3A_324 = vector.broadcast %max3A_323 : f32 to vector<256x128xf32>
    %max3A_325 = arith.maximumf %add3A_322, %max3A_324 : vector<256x128xf32>
    %swap3A_326 = arith.constant 0 : index
    %swap3A_327 = arith.constant 384 : index
    %swap3A_328 = vector.load %arg5[%swap3A_326, %swap3A_327] : memref<256x1536xf32, #tpu.memory_space<vmem>>, vector<256x128xf32>
    tpu.vector_store %arg5[%swap3A_326, %swap3A_327], %max3A_325 {strides = array<i32>} : memref<256x1536xf32, #tpu.memory_space<vmem>>, vector<256x128xf32>,
    %dot_general3A_329 = arith.constant dense<0.000000e+00> : vector<256x128xf32>
    %dot_general3A_330 = tpu.matmul %add3A_241, %get3A_12, %dot_general3A_329 {dimension_numbers = #tpu.dot_dimension_numbers<[1], [1], [0], [0], [0, 0, 1, 0], [], []>, transpose_lhs_hint = false} : vector<256x128xf32>, vector<128x128xf32>, vector<256x128xf32> -> vector<256x128xf32>
    %add3A_331 = vector.broadcast %get3A_15 : vector<1x128xf32> to vector<256x128xf32>
    %add3A_332 = arith.addf %dot_general3A_330, %add3A_331 : vector<256x128xf32>
    %max3A_333 = arith.constant 0.000000e+00 : f32
    %max3A_334 = vector.broadcast %max3A_333 : f32 to vector<256x128xf32>
    %max3A_335 = arith.maximumf %add3A_332, %max3A_334 : vector<256x128xf32>
    %swap3A_336 = arith.constant 0 : index
    %swap3A_337 = arith.constant 512 : index
    %swap3A_338 = vector.load %arg5[%swap3A_336, %swap3A_337] : memref<256x1536xf32, #tpu.memory_space<vmem>>, vector<256x128xf32>
    tpu.vector_store %arg5[%swap3A_336, %swap3A_337], %max3A_335 {strides = array<i32>} : memref<256x1536xf32, #tpu.memory_space<vmem>>, vector<256x128xf32>,
    %dot_general3A_339 = arith.constant dense<0.000000e+00> : vector<256x128xf32>
    %dot_general3A_340 = tpu.matmul %add3A_288, %get3A_12, %dot_general3A_339 {dimension_numbers = #tpu.dot_dimension_numbers<[1], [1], [0], [0], [0, 0, 1, 0], [], []>, transpose_lhs_hint = false} : vector<256x128xf32>, vector<128x128xf32>, vector<256x128xf32> -> vector<256x128xf32>
    %add3A_341 = vector.broadcast %get3A_15 : vector<1x128xf32> to vector<256x128xf32>
    %add3A_342 = arith.addf %dot_general3A_340, %add3A_341 : vector<256x128xf32>
    %max3A_343 = arith.constant 0.000000e+00 : f32
    %max3A_344 = vector.broadcast %max3A_343 : f32 to vector<256x128xf32>
    %max3A_345 = arith.maximumf %add3A_342, %max3A_344 : vector<256x128xf32>
    %swap3A_346 = arith.constant 0 : index
    %swap3A_347 = arith.constant 640 : index
    %swap3A_348 = vector.load %arg5[%swap3A_346, %swap3A_347] : memref<256x1536xf32, #tpu.memory_space<vmem>>, vector<256x128xf32>
    tpu.vector_store %arg5[%swap3A_346, %swap3A_347], %max3A_345 {strides = array<i32>} : memref<256x1536xf32, #tpu.memory_space<vmem>>, vector<256x128xf32>,
    %dot_general3A_349 = arith.constant dense<0.000000e+00> : vector<256x128xf32>
    %dot_general3A_350 = tpu.matmul %add3A_249, %get3A_12, %dot_general3A_349 {dimension_numbers = #tpu.dot_dimension_numbers<[1], [1], [0], [0], [0, 0, 1, 0], [], []>, transpose_lhs_hint = false} : vector<256x128xf32>, vector<128x128xf32>, vector<256x128xf32> -> vector<256x128xf32>
    %add3A_351 = vector.broadcast %get3A_15 : vector<1x128xf32> to vector<256x128xf32>
    %add3A_352 = arith.addf %dot_general3A_350, %add3A_351 : vector<256x128xf32>
    %max3A_353 = arith.constant 0.000000e+00 : f32
    %max3A_354 = vector.broadcast %max3A_353 : f32 to vector<256x128xf32>
    %max3A_355 = arith.maximumf %add3A_352, %max3A_354 : vector<256x128xf32>
    %swap3A_356 = arith.constant 0 : index
    %swap3A_357 = arith.constant 768 : index
    %swap3A_358 = vector.load %arg5[%swap3A_356, %swap3A_357] : memref<256x1536xf32, #tpu.memory_space<vmem>>, vector<256x128xf32>
    tpu.vector_store %arg5[%swap3A_356, %swap3A_357], %max3A_355 {strides = array<i32>} : memref<256x1536xf32, #tpu.memory_space<vmem>>, vector<256x128xf32>,
    %dot_general3A_359 = arith.constant dense<0.000000e+00> : vector<256x128xf32>
    %dot_general3A_360 = tpu.matmul %add3A_257, %get3A_12, %dot_general3A_359 {dimension_numbers = #tpu.dot_dimension_numbers<[1], [1], [0], [0], [0, 0, 1, 0], [], []>, transpose_lhs_hint = false} : vector<256x128xf32>, vector<128x128xf32>, vector<256x128xf32> -> vector<256x128xf32>
    %add3A_361 = vector.broadcast %get3A_15 : vector<1x128xf32> to vector<256x128xf32>
    %add3A_362 = arith.addf %dot_general3A_360, %add3A_361 : vector<256x128xf32>
    %max3A_363 = arith.constant 0.000000e+00 : f32
    %max3A_364 = vector.broadcast %max3A_363 : f32 to vector<256x128xf32>
    %max3A_365 = arith.maximumf %add3A_362, %max3A_364 : vector<256x128xf32>
    %swap3A_366 = arith.constant 0 : index
    %swap3A_367 = arith.constant 896 : index
    %swap3A_368 = vector.load %arg5[%swap3A_366, %swap3A_367] : memref<256x1536xf32, #tpu.memory_space<vmem>>, vector<256x128xf32>
    tpu.vector_store %arg5[%swap3A_366, %swap3A_367], %max3A_365 {strides = array<i32>} : memref<256x1536xf32, #tpu.memory_space<vmem>>, vector<256x128xf32>,
    %dot_general3A_369 = arith.constant dense<0.000000e+00> : vector<256x128xf32>
    %dot_general3A_370 = tpu.matmul %add3A_265, %get3A_12, %dot_general3A_369 {dimension_numbers = #tpu.dot_dimension_numbers<[1], [1], [0], [0], [0, 0, 1, 0], [], []>, transpose_lhs_hint = false} : vector<256x128xf32>, vector<128x128xf32>, vector<256x128xf32> -> vector<256x128xf32>
    %add3A_371 = vector.broadcast %get3A_15 : vector<1x128xf32> to vector<256x128xf32>
    %add3A_372 = arith.addf %dot_general3A_370, %add3A_371 : vector<256x128xf32>
    %max3A_373 = arith.constant 0.000000e+00 : f32
    %max3A_374 = vector.broadcast %max3A_373 : f32 to vector<256x128xf32>
    %max3A_375 = arith.maximumf %add3A_372, %max3A_374 : vector<256x128xf32>
    %swap3A_376 = arith.constant 0 : index
    %swap3A_377 = arith.constant 1024 : index
    %swap3A_378 = vector.load %arg5[%swap3A_376, %swap3A_377] : memref<256x1536xf32, #tpu.memory_space<vmem>>, vector<256x128xf32>
    tpu.vector_store %arg5[%swap3A_376, %swap3A_377], %max3A_375 {strides = array<i32>} : memref<256x1536xf32, #tpu.memory_space<vmem>>, vector<256x128xf32>,
    %dot_general3A_379 = arith.constant dense<0.000000e+00> : vector<256x128xf32>
    %dot_general3A_380 = tpu.matmul %add3A_273, %get3A_12, %dot_general3A_379 {dimension_numbers = #tpu.dot_dimension_numbers<[1], [1], [0], [0], [0, 0, 1, 0], [], []>, transpose_lhs_hint = false} : vector<256x128xf32>, vector<128x128xf32>, vector<256x128xf32> -> vector<256x128xf32>
    %add3A_381 = vector.broadcast %get3A_15 : vector<1x128xf32> to vector<256x128xf32>
    %add3A_382 = arith.addf %dot_general3A_380, %add3A_381 : vector<256x128xf32>
    %max3A_383 = arith.constant 0.000000e+00 : f32
    %max3A_384 = vector.broadcast %max3A_383 : f32 to vector<256x128xf32>
    %max3A_385 = arith.maximumf %add3A_382, %max3A_384 : vector<256x128xf32>
    %swap3A_386 = arith.constant 0 : index
    %swap3A_387 = arith.constant 1152 : index
    %swap3A_388 = vector.load %arg5[%swap3A_386, %swap3A_387] : memref<256x1536xf32, #tpu.memory_space<vmem>>, vector<256x128xf32>
    tpu.vector_store %arg5[%swap3A_386, %swap3A_387], %max3A_385 {strides = array<i32>} : memref<256x1536xf32, #tpu.memory_space<vmem>>, vector<256x128xf32>,
    %dot_general3A_389 = arith.constant dense<0.000000e+00> : vector<256x128xf32>
    %dot_general3A_390 = tpu.matmul %add3A_281, %get3A_12, %dot_general3A_389 {dimension_numbers = #tpu.dot_dimension_numbers<[1], [1], [0], [0], [0, 0, 1, 0], [], []>, transpose_lhs_hint = false} : vector<256x128xf32>, vector<128x128xf32>, vector<256x128xf32> -> vector<256x128xf32>
    %add3A_391 = vector.broadcast %get3A_15 : vector<1x128xf32> to vector<256x128xf32>
    %add3A_392 = arith.addf %dot_general3A_390, %add3A_391 : vector<256x128xf32>
    %max3A_393 = arith.constant 0.000000e+00 : f32
    %max3A_394 = vector.broadcast %max3A_393 : f32 to vector<256x128xf32>
    %max3A_395 = arith.maximumf %add3A_392, %max3A_394 : vector<256x128xf32>
    %swap3A_396 = arith.constant 0 : index
    %swap3A_397 = arith.constant 1280 : index
    %swap3A_398 = vector.load %arg5[%swap3A_396, %swap3A_397] : memref<256x1536xf32, #tpu.memory_space<vmem>>, vector<256x128xf32>
    tpu.vector_store %arg5[%swap3A_396, %swap3A_397], %max3A_395 {strides = array<i32>} : memref<256x1536xf32, #tpu.memory_space<vmem>>, vector<256x128xf32>,
    %dot_general3A_399 = arith.constant dense<0.000000e+00> : vector<256x128xf32>
    %dot_general3A_400 = tpu.matmul %add3A_289, %get3A_12, %dot_general3A_399 {dimension_numbers = #tpu.dot_dimension_numbers<[1], [1], [0], [0], [0, 0, 1, 0], [], []>, transpose_lhs_hint = false} : vector<256x128xf32>, vector<128x128xf32>, vector<256x128xf32> -> vector<256x128xf32>
    %add3A_401 = vector.broadcast %get3A_15 : vector<1x128xf32> to vector<256x128xf32>
    %add3A_402 = arith.addf %dot_general3A_400, %add3A_401 : vector<256x128xf32>
    %max3A_403 = arith.constant 0.000000e+00 : f32
    %max3A_404 = vector.broadcast %max3A_403 : f32 to vector<256x128xf32>
    %max3A_405 = arith.maximumf %add3A_402, %max3A_404 : vector<256x128xf32>
    %swap3A_406 = arith.constant 0 : index
    %swap3A_407 = arith.constant 1408 : index
    %swap3A_408 = vector.load %arg5[%swap3A_406, %swap3A_407] : memref<256x1536xf32, #tpu.memory_space<vmem>>, vector<256x128xf32>
    tpu.vector_store %arg5[%swap3A_406, %swap3A_407], %max3A_405 {strides = array<i32>} : memref<256x1536xf32, #tpu.memory_space<vmem>>, vector<256x128xf32>,
    return
  }
  func.func @transform_0(%arg0: i32) -> (i32, i32) {
    %c0_i32 = arith.constant 0 : i32
    %c0_i32_0 = arith.constant 0 : i32
    %c0_i32_1 = arith.constant 0 : i32
    return %c0_i32, %c0_i32_0 : i32, i32
  }
  func.func @transform_1(%arg0: i32) -> (i32, i32) {
    %c0_i32 = arith.constant 0 : i32
    %c0_i32_0 = arith.constant 0 : i32
    %c0_i32_1 = arith.constant 0 : i32
    return %c0_i32, %c0_i32_0 : i32, i32
  }
  func.func @transform_2(%arg0: i32) -> (i32, i32) {
    %c0_i32 = arith.constant 0 : i32
    %c0_i32_0 = arith.constant 0 : i32
    %c0_i32_1 = arith.constant 0 : i32
    return %c0_i32, %c0_i32_0 : i32, i32
  }
  func.func @transform_3(%arg0: i32) -> (i32, i32) {
    %c0_i32 = arith.constant 0 : i32
    %c0_i32_0 = arith.constant 0 : i32
    return %arg0, %c0_i32 : i32, i32
  }
  func.func @transform_4(%arg0: i32) -> (i32, i32) {
    %c0_i32 = arith.constant 0 : i32
    %c0_i32_0 = arith.constant 0 : i32
    return %arg0, %c0_i32 : i32, i32
  }
  func.func @transform_5(%arg0: i32) -> (i32, i32) {
    %c0_i32 = arith.constant 0 : i32
    %c0_i32_0 = arith.constant 0 : i32
    %c0_i32_1 = arith.constant 0 : i32
    return %c0_i32, %c0_i32_0 : i32, i32
  }
}

</mosaic_0001>

<sc_bundles>
// kernel: sparse-core-data-format-call.cloned.1.call-start
scs
called_computation_lowered:
.L_overlay_start_0:
0x0: {  	s2 =	sld [smem:$0x3FD9]  }
0x1: {  	s3 =	sld [smem:$0x3FFE];
	_ =	sdelay $0x1  }
0x2: {  	s1 =	srdreg.scid  }
0x3: {  	s0 =	sand.u32 $0x1, s1  }
0x4: {  	s15 =	sshll.u32 s0, $0xA;
	s2 =	sadd.s32 s3, s2  }
0x5: {  	s2 =	sadd.s32 s2, s15  }
0x6: {  	[smem:$0x3FC4] =	sst s2  }
0x7: {  	_ = 	snop  }
0x8: {  	s2 =	sld [smem:$0x3FD0];
	_ =	sdelay $0x2  }
0x9: {  	s16 =	simm.s32 $0xA;
	s4 =	simm.s32 $0x10  }
0xa: {  	[smem:s4], [sflag:s16] =	dma.local [hbm:s2], $0x1  }
0xb: {  	_ =	swait.eq [sflag:s16], $0x1  }
0xc: {  	[sflag:s16] =	ssyncset.done $0x0  }
0xd: {  	[sflag:s16] =	ssyncadd.s32 $0xFFFFFFFF  }
0xe: {  	s17 =	sld [smem:$0x10];
	(tm) =	ssettm $0x1  }
0xf: {  	s18 =	sld [smem:$0x3FFB];
	_ =	sdelay $0x3  }
0x10: {  	_ =	strace s18  }
0x11: {  	s3 =	sld [smem:$0x3FFC];
	_ =	sdelay $0x3  }
0x12: {  	_ =	strace s3  }
0x13: {  	s3 =	sld [smem:$0x3FFD];
	_ =	sdelay $0x3  }
0x14: {  	_ =	strace s3  }
0x15: {  	_ =	strace $0x8FFFFFFF  }
0x16: {  	s19 =	sld [smem:$0x3FDB];
	_ =	sdelay $0x1  }
0x17: {  	s20 =	simm.s32 $_scs_section_size  }
0x18: {  	s5 =	simm.s32 $_size__tile_overlayer_lowered;
	s6 =	simm.s32 $_tile_overlayer_lowered  }
0x19: {  	s23 =	simm.s32 $0x1BFF;
	s22 =	sshll.u32 s6, $0x1;
	s3 =	sadd.s32 s20, s19  }
0x1a: {  	s7 =	simm.s32 $0x0;
	s21 =	sshll.u32 s5, $0x1;
	s5 =	sadd.s32 s22, s3  }
0x1b: {  	[timem:s7], [sflag:s23] =	dma.local [hbm:s5], s21  }
0x1c: {  	_ =	swait.ge [sflag:s23], s21  }
0x1d: {  	s4 =	ssub.s32 $0x0, s21;
	[sflag:s23] =	ssyncset.done $0x0  }
0x1e: {  	[sflag:s23] =	ssyncadd.s32 s4;
	_ =	sdelay $0x1  }
0x1f: {  	s24 =	simm.s32 $0x1B8B  }
0x20: {  	_ =	swait.ge [sflag:s24], $0x1  }
0x21: {  	[sflag:s24] =	ssyncset.done $0x0  }
0x22: {  	s26 =	simm.s32 $0x1B8E;
	s25 =	sld [smem:$0x3FFE];
	[sflag:s24] =	ssyncadd.s32 $0xFFFFFFFF  }
0x23: {  	s27 =	simm.s32 $execute0_lowered;
	[smem:$0x3FD2] =	sst s26  }
0x24: {  	s5 =	sshll.u32 s27, $0x1;
	_ =	strace $0x80000046;
	[dreg:$0x1] =	wrdreg $0xFFFFFFFF  }
0x25: {  	s28 =	simm.s32 $_size_execute0_lowered;
	s3 =	sadd.s32 s3, s5;
	[dreg:$0x0] =	wrdreg $0x0  }
0x26: {  	s5 =	sshll.u32 s28, $0x1;
	[dreg:$0x2] =	wrdreg s3  }
0x27: {  	[dreg:$0x3] =	wrdreg s5  }
0x28: {  	[dreg:$0x4] =	wrdreg $0xC0  }
0x29: {  	_ =	task [dreg:s7], $0x5FFFF  }
0x2a: {  	[dreg:$0x1] =	wrdreg $0xFFFFFFFF  }
0x2b: {  	[dreg:$0x0] =	wrdreg $0x60  }
0x2c: {  	[dreg:$0x2] =	wrdreg s25  }
0x2d: {  	[dreg:$0x3] =	wrdreg s17  }
0x2e: {  	[dreg:$0x4] =	wrdreg $0x9  }
0x2f: {  	_ =	task.clear_ibuf [dreg:s7], $0x5FFFF;
	_ =	strace $0x90000046  }
0x30: {  	s29 =	simm.s32 $0x9;
	_ =	strace $0x80000048  }
0x31: {  	_ =	swait.ge [sflag:s29], $0x1  }
0x32: {  	[sflag:s29] =	ssyncadd.s32 $0xFFFFFFFF  }
0x33: {  	_ =	strace $0x90000048  }
0x34: {  	_ =	sfence  }
0x35: {  	s30 =	sld [smem:$0x0];
	_ =	sdelay $0x2  }
0x36: {  	s31 =	sshll.u32 s1, $0xD;
	s1 =	sshrl.u32 s1, $0x2  }
0x37: {  	s3 =	sand.u32 $0x4000, s31;
	s1 =	sadd.s32 s1, s30  }
0x38: {  	s0 =	sor.u32 s3, s0;
	s1 =	sshll.u32 s1, $0x11  }
0x39: {  	s0 =	sor.u32 s1, s0  }
0x3a: {  	s0 =	sadd.s32 $0x8F2B, s0  }
0x3b: {  	[sflag:s0] =	ssyncadd.remote.s32 $0x1  }
0x3c: {  	_ =	sfence.sel $0xFFFF  }
0x3d: {  	[dreg:$0x0] =	wrdreg $0xFFFFFFFF;
	(pc) =	sbr.abs _section_cstart, $3  }
0x3e: {  	[dreg:$0x1] =	wrdreg $0xFFFFFFFF  }
0x3f: {  	_ =	task.clear_ibuf [dreg:s7], $0x2FFFF;
	_ =	strace $0x9FFFFFFF  }
0x40: {  	(tm) =	ssettm $0x7FFFFFFF  }
0x41: {  	_ =	shalt  }
tec
execute0_lowered:
.L_overlay_start_1:
0x0: {  	(tag) =	ssettag $0x1  }
0x1: {  	s0 =	srdreg.scid  }
0x2: {  	s1 =	sshll.u32 s0, $0x4  }
0x3: {  	s0 =	stileid.u32;
	s1 =	sand.u32 $0x10, s1  }
0x4: {  	s6 =	rddreg [dreg:$0x0];
	s1 =	sor.u32 s0, s1  }
0x5: {  	s4 =	simm.s32 $0x1;
	s7 =	simm.s32 $0x2;
	s2 =	sshll.u32 s1, $0x7  }
0x6: {  	s14 =	simm.s32 $0x0;
	s12 =	simm.s32 $0x0;
	s1 =	ssub.s32 $0x4000, s2  }
0x7: {  	s13 =	simm.s32 $0x0;
	s9 =	simm.s32 $0x0;
	s3 =	sand.u32 $0xF80, s1  }
0x8: {  	s10 =	simm.s32 $0x0;
	s5 =	sshrl.u32 s1, $0xC;
	p0 =	sne.s32 s3, $0x0  }
.Ltmp0:
0x9: {  	s1 =	rddreg [dreg:$0x2];
	s4 =	simm.s32 @!p0 $0x0;
	(pc) =	sbr.rel .LBB1_1-.Ltmp0, $4  }
0xa: {  	s11 =	simm.s32 $0x0;
	s3 =	rddreg [dreg:$0x1];
	s5 =	sadd.s32 s4, s5  }
0xb: {  	_ =	strace $0x80000047;
	s4 =	simm.s32 $0x1;
	s5 =	smul.u32 $0xC, s5  }
0xc: {  	s6 =	sadd.s32 $0xC00, s6;
	s8 =	smov.u32 s2;
	[sflag:s4] =	ssyncpa.u1 $0x0  }
0xd: {  	p0 =	por $0x0, $0x0;
	[sflag:s7] =	ssyncpa.u1 $0x0;
	s7 =	sor.u32 $0x1, s5  }
.LBB1_4:
0xe: {  	v5 =	vld [tilespmem:s18+$0xFFFFFFD0];
	[tilespmem:s17+$0x2040 ss:$0x81] =	vst.msk $0xffff, v1  }
0xf: {  	v58 =	vld [tilespmem:s18+$0xFFFFFFE0];
	[tilespmem:s17+$0x2850 ss:$0x81] =	vst.msk $0xffff, v2  }
0x10: {  	s19 =	sshra.s32 s19, $0x2;
	v59 =	vld [tilespmem:s18+$0xFFFFFFF0];
	[tilespmem:s17+$0x3060 ss:$0x81] =	vst.msk $0xffff, v3  }
0x11: {  	v60 =	vld [tilespmem:s18+$0x0];
	[tilespmem:s17+$0x0 ss:$0x81] =	vst.msk $0xffff, v0;
	s16 =	sadd.s32 s19, s16  }
0x12: {  	v61 =	vld [tilespmem:s18+$0x10];
	[tilespmem:s16+$0x3870 ss:$0x81] =	vst.msk $0xffff, v4  }
0x13: {  	v62 =	vld [tilespmem:s18+$0x20];
	s14 =	sshll.u32 s14, $0x7;
	s28 =	sshll.u32 s12, $0x3;
	[tilespmem:s16+$0x810 ss:$0x81] =	vst.msk $0xffff, v5  }
0x14: {  	v63 =	vld [tilespmem:s18+$0xFFFFFFC0];
	s29 =	sand.u32 $0x1FFC00, s14;
	s17 =	sand.u32 $0x1FFC00, s28;
	[tilespmem:s16+$0x1020 ss:$0x81] =	vst.msk $0xffff, v58  }
0x15: {  	s14 =	sand.u32 $0x380, s14;
	s17 =	sadd.s32 s17, s29;
	[tilespmem:s16+$0x1830 ss:$0x81] =	vst.msk $0xffff, v59  }
0x16: {  	s13 =	sshll.u32 s13, $0x12;
	s30 =	sshrl.u32 s12, $0x3;
	s14 =	sor.u32 s14, s17;
	[tilespmem:s16+$0x2040 ss:$0x81] =	vst.msk $0xffff, v60  }
0x17: {  	s13 =	sadd.s32 s3, s13;
	s17 =	sand.u32 $0xF, s30;
	s14 =	sshrl.u32 s14, $0x3;
	[tilespmem:s16+$0x2850 ss:$0x81] =	vst.msk $0xffff, v61  }
0x18: {  	s13 =	sadd.s32 s17, s13;
	[tilespmem:s16+$0x3060 ss:$0x81] =	vst.msk $0xffff, v62;
	s14 =	sand.u32 $0x3FFF0, s14  }
0x19: {  	s31 =	sand.u32 $0x7, s12;
	[tilespmem:s16+$0x0 ss:$0x81] =	vst.msk $0xffff, v63;
	s13 =	sadd.s32 s14, s13  }
0x1a: {  	[hbm4b:s13+s31] =	stream.linear.scatter [tilespmem:s15], [sflag:$0x2], $0x4000, $0x20;
	[tilespmem:$0x10100] =	vst v63  }
.LBB1_5:
0x1b: {  	s15 =	sadd.s32 $0x1000, s8  }
0x1c: {  	s12 =	sadd.s32 $0x80, s9;
	s16 =	smov.u32 s9;
	p2 =	sgt.s32 s15, $0x3FFF  }
0x1d: {  	s16 =	smov.u32 @p2 s12  }
0x1e: {  	s12 =	simm.s32 $0x1;
	p3 =	sgt.s32 s16, $0x7F  }
0x1f: {  	s12 =	simm.s32 @!p3 $0x0  }
0x20: {  	s18 =	sadd.s32 s12, s10  }
0x21: {  	s15 =	smov.u32 @p2 s2;
	p2 =	sgt.s32 s18, $0xB  }
0x22: {  	p1 =	slt.u32 s11, $0x2;
	s18 =	simm.s32 @p2 $0x0;
	p2 =	sne.s32 s11, s7  }
.Ltmp1:
0x23: {  	s17 =	simm.s32 @!p1 $0x2;
	(pc) =	sbr.rel @!p2 .LBB1_6-.Ltmp1, $4  }
0x24: {  	s14 =	smov.u32 s8;
	s13 =	smov.u32 s10;
	_ =	swait.ge @!p1 [sflag:s17], $0x4000  }
0x25: {  	p0 =	por !p0, !p0;
	[sflag:s17] =	ssyncset.done @!p1 $0x0;
	s8 =	smov.u32 s15  }
0x26: {  	s16 =	simm.s32 @p3 $0x0;
	[sflag:s17] =	ssyncadd.s32 @!p1 $0xFFFFC000;
	s12 =	smov.u32 s9  }
0x27: {  	s9 =	smov.u32 s16;
	s11 =	sadd.s32 $0x1, s11;
	s10 =	smov.u32 s18  }
.LBB1_1:
0x28: {  	p1 =	sge.u32 s11, s5;
	s31 =	sadd.s32 $0xFFFFFFFF, s11  }
0x29: {  	s15 =	sxor.u32 @!p1 $0xFFFFFFFF, s11;
	s16 =	sand.u32 @!p1 $0x78, s8;
	s17 =	sshll.u32 @!p1 s9, $0xE  }
0x2a: {  	s18 =	sshll.u32 @!p1 s9, $0x7;
	s19 =	sshll.u32 @!p1 s8, $0x3;
	s15 =	sshll.u32 @!p1 s15, $0xE  }
0x2b: {  	s17 =	sand.u32 @!p1 $0x1E0000, s17;
	s18 =	sand.u32 @!p1 $0x380, s18;
	s15 =	sand.u32 @!p1 $0x4000, s15  }
0x2c: {  	s17 =	sadd.s32 @!p1 s17, s19;
	s19 =	sand.u32 @!p1 $0x3C00, s19;
	s16 =	sor.u32 @!p1 s18, s16  }
0x2d: {  	s18 =	sshll.u32 @!p1 s10, $0x12;
	s16 =	sor.u32 @!p1 s19, s16;
	s17 =	sshrl.u32 @!p1 s17, $0x3  }
0x2e: {  	s18 =	sadd.s32 @!p1 s6, s18;
	s19 =	sand.u32 @!p1 $0x7, s8;
	s17 =	sand.u32 @!p1 $0x3F800, s17  }
0x2f: {  	s16 =	sshrl.u32 @!p1 s16, $0x3;
	s17 =	sadd.s32 @!p1 s17, s18;
	s18 =	sshll.u32 @!p1 s19, $0x12  }
0x30: {  	s16 =	sadd.s32 @!p1 s16, s17;
	s17 =	sor.u32 @!p1 $0x400, s18;
	s18 =	simm.s32 @!p1 $0x20000  }
0x31: {  	[tilespmem:s15], [sflag:$0x1] =	stream.strided.gather @!p1 [hbm4b:s16+s17], $0x4000, s18, s17, $0x38;
	[tilespmem:$0x10100] =	vst v63  }
0x32: {  	p1 =	sge.u32 s31, s5  }
.Ltmp2:
0x33: {  	_ = 	snop;
	(pc) =	sbr.rel @p1 .LBB1_5-.Ltmp2, $1  }
0x34: {  	_ =	sdelay $0x3  }
0x35: {  	s15 =	simm.s32 $0x1  }
0x36: {  	_ =	swait.ge [sflag:s4], $0x4000;
	s15 =	simm.s32 @!p0 $0x0  }
0x37: {  	[sflag:s4] =	ssyncset.done $0x0;
	s16 =	sshll.u32 s15, $0xE  }
0x38: {  	[sflag:s4] =	ssyncadd.s32 $0xFFFFC000;
	s18 =	sor.u32 $0x40, s16  }
0x39: {  	s15 =	smul.u32 $0x10200, s15;
	v0 =	vld [tilespmem:s18+$0x30]  }
0x3a: {  	v3 =	vld [tilespmem:s18+$0xFFFFFFD0]  }
0x3b: {  	s15 =	sshrl.u32 s15, $0x2;
	v4 =	vld [tilespmem:s18+$0xFFFFFFE0]  }
0x3c: {  	v5 =	vld [tilespmem:s18+$0xFFFFFFF0];
	s16 =	sor.u32 $0x8000, s15  }
0x3d: {  	s31 =	sand.u32 $0x1, s11;
	v1 =	vld [tilespmem:s18+$0x0];
	s17 =	sadd.s32 $0x0, s16  }
0x3e: {  	v2 =	vld [tilespmem:s18+$0x10];
	s15 =	smul.u32 $0x10200, s31;
	[tilespmem:s17+$0x3870 ss:$0x81] =	vst.msk $0xffff, v0  }
0x3f: {  	[tilespmem:s17+$0x810 ss:$0x81] =	vst.msk $0xffff, v3;
	v3 =	vld [tilespmem:s18+$0x20]  }
0x40: {  	s15 =	sshrl.u32 s15, $0x2;
	v0 =	vld [tilespmem:s18+$0xFFFFFFC0];
	[tilespmem:s17+$0x1020 ss:$0x81] =	vst.msk $0xffff, v4;
	s18 =	sadd.s32 $0x80, s18  }
0x41: {  	s19 =	simm.s32 $0x4;
	s20 =	simm.s32 $0x8;
	s15 =	sor.u32 $0x8000, s15;
	[tilespmem:s17+$0x1830 ss:$0x81] =	vst.msk $0xffff, v5;
	v4 =	vld [tilespmem:s18+$0x30]  }
.LBB1_3:
0x42: {  	p1 =	sne.s32 s20, $0x1FC;
	v5 =	vld [tilespmem:s18+$0xFFFFFFD0];
	[tilespmem:s17+$0x2040 ss:$0x81] =	vst.msk $0xffff, v1  }
0x43: {  	v6 =	vld [tilespmem:s18+$0xFFFFFFE0];
	[tilespmem:s17+$0x2850 ss:$0x81] =	vst.msk $0xffff, v2  }
0x44: {  	s21 =	sshra.s32 s19, $0x2;
	s19 =	smov.u32 s20;
	v7 =	vld [tilespmem:s18+$0xFFFFFFF0];
	[tilespmem:s17+$0x3060 ss:$0x81] =	vst.msk $0xffff, v3  }
.Ltmp3:
0x45: {  	v1 =	vld [tilespmem:s18+$0x0];
	[tilespmem:s17+$0x0 ss:$0x81] =	vst.msk $0xffff, v0;
	s17 =	sadd.s32 s21, s16;
	(pc) =	sbr.rel @p1 .LBB1_3-.Ltmp3, $4  }
0x46: {  	v2 =	vld [tilespmem:s18+$0x10];
	[tilespmem:s17+$0x3870 ss:$0x81] =	vst.msk $0xffff, v4  }
0x47: {  	[tilespmem:s17+$0x810 ss:$0x81] =	vst.msk $0xffff, v5;
	v3 =	vld [tilespmem:s18+$0x20]  }
0x48: {  	v0 =	vld [tilespmem:s18+$0xFFFFFFC0];
	[tilespmem:s17+$0x1020 ss:$0x81] =	vst.msk $0xffff, v6;
	s18 =	sadd.s32 $0x80, s18  }
0x49: {  	s20 =	sadd.s32 $0x4, s20;
	v4 =	vld [tilespmem:s18+$0x30];
	[tilespmem:s17+$0x1830 ss:$0x81] =	vst.msk $0xffff, v7  }
.Ltmp4:
0x4a: {  	_ = 	snop;
	(pc) =	sbr.rel .LBB1_4-.Ltmp4, $1  }
0x4b: {  	_ =	sdelay $0x3  }
.LBB1_6:
0x4c: {  	_ =	sfence.sel $0x180000  }
0x4d: {  	s2 =	simm.s32 $0x1;
	[bflag:$0x0] =	sbarrier.arrive $0xFFFF  }
0x4e: {  	s31 =	simm.s32 $0x2;
	[sflag:s2] =	ssyncpa.u1 $0x1  }
0x4f: {  	[sflag:s31] =	ssyncpa.u1 $0x1  }
0x50: {  	p0 =	sne.s32 s0, $0x0;
	_ =	strace $0x90000047  }
0x51: {  	s0 =	sadd.s32 @!p0 $0x100000, s1;
	[bflag:$0x2] =	sbarrier.arrive $0xFFFF  }
0x52: {  	[sflag:s0] =	ssyncadd.tile.s32 @!p0 $0x1;
	_ =	shalt  }
.Lfunc_end1:
_tile_overlayer_lowered:
.L_overlay_start_2:
0x53: {  	(tag) =	ssettag $0x2  }
0x54: {  	s0 =	rddreg [dreg:$0x0];
	s2 =	stileid.u32  }
0x55: {  	s1 =	rddreg [dreg:$0x1];
	p0 =	sne.s32 s2, $0x0  }
0x56: {  	s3 =	rddreg [dreg:$0x2];
	[bflag:$0x3] =	sbarrier.arrive $0xFFFF;
	s2 =	simm.s32 @!p0 $0x1C01  }
0x57: {  	[timem:s3], [sflag:s2] =	dma.local @!p0 [hbm:s0], s1  }
0x58: {  	s0 =	simm.s32 @!p0 $0x1  }
0x59: {  	_ =	swait.ge @!p0 [sflag:s0], s1  }
0x5a: {  	s1 =	ssub.s32 @!p0 $0x0, s1;
	[sflag:s0] =	ssyncset.done @!p0 $0x0  }
0x5b: {  	[sflag:s0] =	ssyncadd.s32 @!p0 s1  }
0x5c: {  	[bflag:$0x3] =	sbarrier.arrive $0xFFFF  }
0x5d: {  	_ =	shalt  }

</sc_bundles>
